<compile_context>
chip_gen: v7x
topology: tpu7x:2x2x1
jax: 0.10.2.dev20260603
libtpu: 0.0.44.dev20260713+nightly
codegen_flags: <defaults>
</compile_context>

<pallas_src>
import functools

import jax
import jax.numpy as jnp
from jax import lax
from jax.experimental import pallas as pl
from jax.experimental.pallas import tpu as pltpu
from jax.experimental.pallas import tpu_sc as plsc

KEEP_RATIO = 0.5


def _scores_body(x_ref, o_ref):
    o_ref[...] = jnp.sum(jnp.abs(x_ref[...]), axis=(2, 3))[None]


def _sc_mask_body(bits_hbm, out_hbm, row_v, mask_v, tmp_v, lanes_sem):
    w = lax.axis_index("s") * 2 + lax.axis_index("c")
    c = bits_hbm.shape[1]
    lanes = 16
    nv = c // lanes
    k = max(1, min(c, int(round(c * KEEP_RATIO))))

    pltpu.sync_copy(bits_hbm.at[w], row_v)
    iota = lax.iota(jnp.int32, lanes)
    one = jnp.ones((lanes,), jnp.int32)
    zero = jnp.zeros((lanes,), jnp.int32)

    def lane_total(x):
        s = x
        for sh in (8, 4, 2, 1):
            tmp_v[pl.ds(0, lanes)] = s
            tmp_v[pl.ds(lanes, lanes)] = s
            s = s + tmp_v[pl.ds(sh, lanes)]
        return s

    def count_ge(thr):
        def body(i, cnt):
            v = row_v[pl.ds(i * lanes, lanes)]
            return cnt + jnp.where(v >= thr, one, zero)
        return lane_total(lax.fori_loop(0, nv, body, zero))

    def vsearch(_, carry):
        lo, hi = carry
        mid = lo + ((hi - lo + 1) >> 1)
        p = count_ge(mid) >= k
        return (jnp.where(p, mid, lo),
                jnp.where(p, hi, mid - jnp.ones((lanes,), jnp.int32)))

    lo = jnp.zeros((lanes,), jnp.int32)
    hi = jnp.full((lanes,), 0x7F800000, jnp.int32)
    t, _ = lax.fori_loop(0, 31, vsearch, (lo, hi))

    need_eq = k - count_ge(t + jnp.ones((lanes,), jnp.int32))

    def count_eq_le(m):
        def body(i, cnt):
            v = row_v[pl.ds(i * lanes, lanes)]
            col = iota + i * lanes
            return cnt + jnp.where((v == t) & (col <= m), one, zero)
        return lane_total(lax.fori_loop(0, nv, body, zero))

    def isearch(_, carry):
        lo2, hi2 = carry
        mid = (lo2 + hi2) >> 1
        p = count_eq_le(mid) >= need_eq
        return (jnp.where(p, lo2, mid + jnp.ones((lanes,), jnp.int32)),
                jnp.where(p, mid, hi2))

    lo2 = jnp.zeros((lanes,), jnp.int32)
    hi2 = jnp.full((lanes,), c - 1, jnp.int32)
    m, _ = lax.fori_loop(0, 10, isearch, (lo2, hi2))

    def write_mask(i, _):
        v = row_v[pl.ds(i * lanes, lanes)]
        col = iota + i * lanes
        keep = (v > t) | ((v == t) & (col <= m))
        mask_v[pl.ds(i * lanes, lanes)] = jnp.where(keep, 1.0, 0.0)
        return 0

    lax.fori_loop(0, nv, write_mask, 0)
    pltpu.sync_copy(mask_v, out_hbm.at[w])


def kernel(features, enabled):
    b, c, h, w = features.shape

    bblk, cblk = 4, 128
    scores3 = pl.pallas_call(
        _scores_body,
        grid=(b // bblk, c // cblk),
        in_specs=[pl.BlockSpec((bblk, cblk, h, w),
                               lambda i, j: (i, j, 0, 0))],
        out_specs=pl.BlockSpec((1, bblk, cblk), lambda i, j: (i, 0, j)),
        out_shape=jax.ShapeDtypeStruct((b // bblk, bblk, c), jnp.float32),
        compiler_params=pltpu.CompilerParams(
            dimension_semantics=("parallel", "parallel")),
    )(features)
    bits = jax.lax.bitcast_convert_type(scores3.reshape(b, c), jnp.int32)

    sc_mask = functools.partial(
        pl.kernel,
        mesh=plsc.VectorSubcoreMesh(core_axis_name="c", subcore_axis_name="s"),
        out_type=jax.ShapeDtypeStruct((b, c), jnp.float32),
        scratch_types=[
            pltpu.VMEM((c,), jnp.int32),
            pltpu.VMEM((c,), jnp.float32),
            pltpu.VMEM((32,), jnp.int32),
            pltpu.SemaphoreType.DMA,
        ],
    )(_sc_mask_body)
    mask = sc_mask(bits)

    gated = mask.reshape(b, c, 1, 1)
    return jnp.where(jnp.asarray(enabled) != 0, gated,
                     jnp.ones_like(gated))

# --- scband reference (transcript-rebuilt; emitter-appended) ---
"""Pipeline reference for scband-channel-importance-gate-21844203668145 (READ-ONLY COPY).

The authoritative reference and input builder live on the scoring server;
editing this copy changes nothing except your own understanding.
"""

import jax, jax.numpy as jnp
import numpy as np

KEEP_RATIO = 0.5
TEMPERATURE = 0.1


def setup_inputs(seed: int = 0) -> dict:
    key = jax.random.key(seed)
    features = jax.random.normal(key, (32, 768, 56, 56), dtype=jnp.float32)
    # enabled is a plain python scalar (truthy -> gating active)
    return {"features": features, "enabled": 1}


def reference(features, enabled):
    b, c = features.shape[0], features.shape[1]
    disabled_mask = jnp.ones((b, c, 1, 1), dtype=features.dtype)
    # per-channel importance score: mean absolute activation over spatial dims
    scores = jnp.mean(jnp.abs(features), axis=(2, 3))  # [B, C]
    total = scores.shape[1]
    keep = max(1, min(total, int(round(total * KEEP_RATIO))))
    top_values, top_indices = jax.lax.top_k(scores, keep)  # [B, keep]
    hard_mask = jnp.zeros_like(scores)
    rows = jnp.arange(b)[:, None]
    hard_mask = hard_mask.at[rows, top_indices].set(1.0)
    # module defaults to training mode -> straight-through soft mask branch
    threshold = jax.lax.stop_gradient(top_values[:, -1:])  # [B, 1]
    soft_mask = jax.nn.sigmoid((scores - threshold) / TEMPERATURE)
    denom = jnp.maximum(jnp.sum(soft_mask, axis=1, keepdims=True), 1e-06)
    soft_mask = soft_mask * (keep / denom)
    soft_mask = jnp.clip(soft_mask, 0.0, 1.0)
    # hard.detach() - soft.detach() + soft  ==  stop_grad(hard - soft) + soft
    flat_mask = jax.lax.stop_gradient(hard_mask - soft_mask) + soft_mask
    gated_mask = flat_mask.reshape(b, c, 1, 1)
    return jnp.where(jnp.asarray(enabled) != 0, gated_mask, disabled_mask)

if __name__ == "__main__":
    import jax
    _d = setup_inputs()
    print(jax.jit(kernel)(*tuple(_d.values())))

</pallas_src>

<mosaic_0001>
#map = affine_map<(d0, d1) -> (0, 0)>
module attributes {stable_mosaic.version = 14 : i64} {
  func.func @_sc_mask_body(%arg0: i32, %arg1: i32, %arg2: memref<32x768xi32, #tpu.memory_space<hbm>>, %arg3: memref<32x768xf32, #tpu.memory_space<hbm>>, %arg4: memref<768xi32, #tpu.memory_space<vmem>>, %arg5: memref<768xf32, #tpu.memory_space<vmem>>, %arg6: memref<32xi32, #tpu.memory_space<vmem>>, %arg7: memref<!tpu.dma_semaphore, #tpu.memory_space<semaphore_mem>>) attributes {dimension_semantics = [#tpu.dimension_semantics<core_parallel>, #tpu.dimension_semantics<subcore_parallel>], iteration_bounds = array<i64: 2, 16>, scalar_prefetch = 0 : i64, scratch_operands = 4 : i64, tpu.core_type = #tpu.core_type<sc_vector_subcore>, window_params = [{transform_indices = #map}, {transform_indices = #map}]} {
    %mul3A = arith.constant 2 : i32
    %mul3A_0 = arith.muli %arg1, %mul3A : i32
    %add3A = arith.addi %mul3A_0, %arg0 : i32
    "tpu.region"() ({
      %run_scoped3A = tpu.sem_alloc : memref<!tpu.dma_semaphore, #tpu.memory_space<semaphore_mem>>
      %dma_start3A = arith.constant 0 : i32
      %dma_start3A_87 = tpu.memref_slice %arg2[%add3A, %dma_start3A] : memref<32x768xi32, #tpu.memory_space<hbm>> -> memref<1x768xi32, #tpu.memory_space<hbm>>
      %dma_start3A_88 = tpu.memref_squeeze %dma_start3A_87 : memref<1x768xi32, #tpu.memory_space<hbm>> -> memref<768xi32, #tpu.memory_space<hbm>>
      %dma_start3A_89 = arith.constant 0 : i32
      %dma_start3A_90 = tpu.memref_slice %arg2[%add3A, %dma_start3A_89] : memref<32x768xi32, #tpu.memory_space<hbm>> -> memref<1x768xi32, #tpu.memory_space<hbm>>
      %dma_start3A_91 = tpu.memref_squeeze %dma_start3A_90 : memref<1x768xi32, #tpu.memory_space<hbm>> -> memref<768xi32, #tpu.memory_space<hbm>>
      tpu.enqueue_dma source(%dma_start3A_91 : memref<768xi32, #tpu.memory_space<hbm>>) target(%arg4 : memref<768xi32, #tpu.memory_space<vmem>>) target_semaphore(%run_scoped3A : memref<!tpu.dma_semaphore, #tpu.memory_space<semaphore_mem>>)
      %dma_wait3A = arith.constant 0 : i32
      %dma_wait3A_92 = tpu.memref_slice %arg2[%add3A, %dma_wait3A] : memref<32x768xi32, #tpu.memory_space<hbm>> -> memref<1x768xi32, #tpu.memory_space<hbm>>
      %dma_wait3A_93 = tpu.memref_squeeze %dma_wait3A_92 : memref<1x768xi32, #tpu.memory_space<hbm>> -> memref<768xi32, #tpu.memory_space<hbm>>
      %dma_wait3A_94 = arith.constant 0 : i32
      %dma_wait3A_95 = tpu.memref_slice %arg2[%add3A, %dma_wait3A_94] : memref<32x768xi32, #tpu.memory_space<hbm>> -> memref<1x768xi32, #tpu.memory_space<hbm>>
      %dma_wait3A_96 = tpu.memref_squeeze %dma_wait3A_95 : memref<1x768xi32, #tpu.memory_space<hbm>> -> memref<768xi32, #tpu.memory_space<hbm>>
      tpu.wait_dma2 semaphore(%run_scoped3A : memref<!tpu.dma_semaphore, #tpu.memory_space<semaphore_mem>>) src(%dma_wait3A_96 : memref<768xi32, #tpu.memory_space<hbm>>) dst(%arg4 : memref<768xi32, #tpu.memory_space<vmem>>)
      tpu.yield
    }) : () -> ()
    %iota3A = tpu.iota {dimensions = array<i32: 0>} : vector<16xi32>
    %broadcast_in_dim3A = arith.constant 1 : i32
    %broadcast_in_dim3A_1 = vector.broadcast %broadcast_in_dim3A : i32 to vector<16xi32>
    %broadcast_in_dim3A_2 = arith.constant 0 : i32
    %broadcast_in_dim3A_3 = vector.broadcast %broadcast_in_dim3A_2 : i32 to vector<16xi32>
    %broadcast_in_dim3A_4 = arith.constant 0 : i32
    %broadcast_in_dim3A_5 = vector.broadcast %broadcast_in_dim3A_4 : i32 to vector<16xi32>
    %broadcast_in_dim3A_6 = arith.constant 2139095040 : i32
    %broadcast_in_dim3A_7 = vector.broadcast %broadcast_in_dim3A_6 : i32 to vector<16xi32>
    %scan3A = arith.constant 0 : i32
    %scan3A_8 = arith.constant 31 : i32
    %scan3A_9 = arith.addi %scan3A, %scan3A_8 : i32
    %scan3A_10 = arith.constant 1 : i32
    %scan3A_11:2 = scf.for %scan3A_87 = %scan3A to %scan3A_9 step %scan3A_10 iter_args(%scan3A_88 = %broadcast_in_dim3A_5, %scan3A_89 = %broadcast_in_dim3A_7) -> (vector<16xi32>, vector<16xi32>)  : i32 {
      %sub3A_90 = arith.subi %scan3A_89, %scan3A_88 : vector<16xi32>
      %add3A_91 = arith.constant 1 : i32
      %add3A_92 = vector.broadcast %add3A_91 : i32 to vector<16xi32>
      %add3A_93 = arith.addi %sub3A_90, %add3A_92 : vector<16xi32>
      %shift_right_arithmetic3A = arith.constant 1 : i32
      %shift_right_arithmetic3A_94 = vector.broadcast %shift_right_arithmetic3A : i32 to vector<16xi32>
      %shift_right_arithmetic3A_95 = arith.shrsi %add3A_93, %shift_right_arithmetic3A_94 : vector<16xi32>
      %add3A_96 = arith.addi %scan3A_88, %shift_right_arithmetic3A_95 : vector<16xi32>
      %scan3A_97 = arith.constant 0 : i32
      %scan3A_98 = arith.constant 48 : i32
      %scan3A_99 = arith.addi %scan3A_97, %scan3A_98 : i32
      %scan3A_100 = arith.constant 1 : i32
      %scan3A_101 = scf.for %scan3A_157 = %scan3A_97 to %scan3A_99 step %scan3A_100 iter_args(%scan3A_158 = %broadcast_in_dim3A_3) -> (vector<16xi32>)  : i32 {
        %mul3A_159 = arith.constant 16 : i32
        %mul3A_160 = arith.muli %scan3A_157, %mul3A_159 : i32
        %get3A_161 = arith.index_cast %mul3A_160 : i32 to index
        %get3A_162 = tpu.vector_load %arg4[%get3A_161] {strides = array<i32>} : memref<768xi32, #tpu.memory_space<vmem>>, vector<16xi32>,
        %get3A_163 = vector.shape_cast %get3A_162 : vector<16xi32> to vector<16xi32>
        %ge3A_164 = arith.cmpi sge, %get3A_163, %add3A_96 : vector<16xi32>
        %select_n3A_165 = arith.select %ge3A_164, %broadcast_in_dim3A_1, %broadcast_in_dim3A_3 : vector<16xi1>, vector<16xi32>
        %add3A_166 = arith.addi %scan3A_158, %select_n3A_165 : vector<16xi32>
        scf.yield %add3A_166 : vector<16xi32>
      }
      %scan3A_102 = arith.constant 48 : i32
      %swap3A_103 = arith.constant 0 : index
      %swap3A_104 = tpu.vector_load %arg6[%swap3A_103] {strides = array<i32>} : memref<32xi32, #tpu.memory_space<vmem>>, vector<16xi32>,
      %swap3A_105 = vector.shape_cast %swap3A_104 : vector<16xi32> to vector<16xi32>
      %swap3A_106 = vector.shape_cast %scan3A_101 : vector<16xi32> to vector<16xi32>
      tpu.vector_store %arg6[%swap3A_103], %swap3A_106 {strides = array<i32>} : memref<32xi32, #tpu.memory_space<vmem>>, vector<16xi32>,
      %swap3A_107 = arith.constant 16 : index
      %swap3A_108 = tpu.vector_load %arg6[%swap3A_107] {strides = array<i32>} : memref<32xi32, #tpu.memory_space<vmem>>, vector<16xi32>,
      %swap3A_109 = vector.shape_cast %swap3A_108 : vector<16xi32> to vector<16xi32>
      %swap3A_110 = vector.shape_cast %scan3A_101 : vector<16xi32> to vector<16xi32>
      tpu.vector_store %arg6[%swap3A_107], %swap3A_110 {strides = array<i32>} : memref<32xi32, #tpu.memory_space<vmem>>, vector<16xi32>,
      %get3A_111 = arith.constant 8 : index
      %get3A_112 = tpu.vector_load %arg6[%get3A_111] {strides = array<i32>} : memref<32xi32, #tpu.memory_space<vmem>>, vector<16xi32>,
      %get3A_113 = vector.shape_cast %get3A_112 : vector<16xi32> to vector<16xi32>
      %add3A_114 = arith.addi %scan3A_101, %get3A_113 : vector<16xi32>
      %swap3A_115 = arith.constant 0 : index
      %swap3A_116 = tpu.vector_load %arg6[%swap3A_115] {strides = array<i32>} : memref<32xi32, #tpu.memory_space<vmem>>, vector<16xi32>,
      %swap3A_117 = vector.shape_cast %swap3A_116 : vector<16xi32> to vector<16xi32>
      %swap3A_118 = vector.shape_cast %add3A_114 : vector<16xi32> to vector<16xi32>
      tpu.vector_store %arg6[%swap3A_115], %swap3A_118 {strides = array<i32>} : memref<32xi32, #tpu.memory_space<vmem>>, vector<16xi32>,
      %swap3A_119 = arith.constant 16 : index
      %swap3A_120 = tpu.vector_load %arg6[%swap3A_119] {strides = array<i32>} : memref<32xi32, #tpu.memory_space<vmem>>, vector<16xi32>,
      %swap3A_121 = vector.shape_cast %swap3A_120 : vector<16xi32> to vector<16xi32>
      %swap3A_122 = vector.shape_cast %add3A_114 : vector<16xi32> to vector<16xi32>
      tpu.vector_store %arg6[%swap3A_119], %swap3A_122 {strides = array<i32>} : memref<32xi32, #tpu.memory_space<vmem>>, vector<16xi32>,
      %get3A_123 = arith.constant 4 : index
      %get3A_124 = tpu.vector_load %arg6[%get3A_123] {strides = array<i32>} : memref<32xi32, #tpu.memory_space<vmem>>, vector<16xi32>,
      %get3A_125 = vector.shape_cast %get3A_124 : vector<16xi32> to vector<16xi32>
      %add3A_126 = arith.addi %add3A_114, %get3A_125 : vector<16xi32>
      %swap3A_127 = arith.constant 0 : index
      %swap3A_128 = tpu.vector_load %arg6[%swap3A_127] {strides = array<i32>} : memref<32xi32, #tpu.memory_space<vmem>>, vector<16xi32>,
      %swap3A_129 = vector.shape_cast %swap3A_128 : vector<16xi32> to vector<16xi32>
      %swap3A_130 = vector.shape_cast %add3A_126 : vector<16xi32> to vector<16xi32>
      tpu.vector_store %arg6[%swap3A_127], %swap3A_130 {strides = array<i32>} : memref<32xi32, #tpu.memory_space<vmem>>, vector<16xi32>,
      %swap3A_131 = arith.constant 16 : index
      %swap3A_132 = tpu.vector_load %arg6[%swap3A_131] {strides = array<i32>} : memref<32xi32, #tpu.memory_space<vmem>>, vector<16xi32>,
      %swap3A_133 = vector.shape_cast %swap3A_132 : vector<16xi32> to vector<16xi32>
      %swap3A_134 = vector.shape_cast %add3A_126 : vector<16xi32> to vector<16xi32>
      tpu.vector_store %arg6[%swap3A_131], %swap3A_134 {strides = array<i32>} : memref<32xi32, #tpu.memory_space<vmem>>, vector<16xi32>,
      %get3A_135 = arith.constant 2 : index
      %get3A_136 = tpu.vector_load %arg6[%get3A_135] {strides = array<i32>} : memref<32xi32, #tpu.memory_space<vmem>>, vector<16xi32>,
      %get3A_137 = vector.shape_cast %get3A_136 : vector<16xi32> to vector<16xi32>
      %add3A_138 = arith.addi %add3A_126, %get3A_137 : vector<16xi32>
      %swap3A_139 = arith.constant 0 : index
      %swap3A_140 = tpu.vector_load %arg6[%swap3A_139] {strides = array<i32>} : memref<32xi32, #tpu.memory_space<vmem>>, vector<16xi32>,
      %swap3A_141 = vector.shape_cast %swap3A_140 : vector<16xi32> to vector<16xi32>
      %swap3A_142 = vector.shape_cast %add3A_138 : vector<16xi32> to vector<16xi32>
      tpu.vector_store %arg6[%swap3A_139], %swap3A_142 {strides = array<i32>} : memref<32xi32, #tpu.memory_space<vmem>>, vector<16xi32>,
      %swap3A_143 = arith.constant 16 : index
      %swap3A_144 = tpu.vector_load %arg6[%swap3A_143] {strides = array<i32>} : memref<32xi32, #tpu.memory_space<vmem>>, vector<16xi32>,
      %swap3A_145 = vector.shape_cast %swap3A_144 : vector<16xi32> to vector<16xi32>
      %swap3A_146 = vector.shape_cast %add3A_138 : vector<16xi32> to vector<16xi32>
      tpu.vector_store %arg6[%swap3A_143], %swap3A_146 {strides = array<i32>} : memref<32xi32, #tpu.memory_space<vmem>>, vector<16xi32>,
      %get3A_147 = arith.constant 1 : index
      %get3A_148 = tpu.vector_load %arg6[%get3A_147] {strides = array<i32>} : memref<32xi32, #tpu.memory_space<vmem>>, vector<16xi32>,
      %get3A_149 = vector.shape_cast %get3A_148 : vector<16xi32> to vector<16xi32>
      %add3A_150 = arith.addi %add3A_138, %get3A_149 : vector<16xi32>
      %ge3A = arith.constant 384 : i32
      %ge3A_151 = vector.broadcast %ge3A : i32 to vector<16xi32>
      %ge3A_152 = arith.cmpi sge, %add3A_150, %ge3A_151 : vector<16xi32>
      %select_n3A = arith.select %ge3A_152, %add3A_96, %scan3A_88 : vector<16xi1>, vector<16xi32>
      %broadcast_in_dim3A_153 = arith.constant 1 : i32
      %broadcast_in_dim3A_154 = vector.broadcast %broadcast_in_dim3A_153 : i32 to vector<16xi32>
      %sub3A_155 = arith.subi %add3A_96, %broadcast_in_dim3A_154 : vector<16xi32>
      %select_n3A_156 = arith.select %ge3A_152, %scan3A_89, %sub3A_155 : vector<16xi1>, vector<16xi32>
      scf.yield %select_n3A, %select_n3A_156 : vector<16xi32>, vector<16xi32>
    }
    %scan3A_12 = arith.constant 31 : i32
    %broadcast_in_dim3A_13 = arith.constant 1 : i32
    %broadcast_in_dim3A_14 = vector.broadcast %broadcast_in_dim3A_13 : i32 to vector<16xi32>
    %add3A_15 = arith.addi %scan3A_11#0, %broadcast_in_dim3A_14 : vector<16xi32>
    %scan3A_16 = arith.constant 0 : i32
    %scan3A_17 = arith.constant 48 : i32
    %scan3A_18 = arith.addi %scan3A_16, %scan3A_17 : i32
    %scan3A_19 = arith.constant 1 : i32
    %scan3A_20 = scf.for %scan3A_87 = %scan3A_16 to %scan3A_18 step %scan3A_19 iter_args(%scan3A_88 = %broadcast_in_dim3A_3) -> (vector<16xi32>)  : i32 {
      %mul3A_89 = arith.constant 16 : i32
      %mul3A_90 = arith.muli %scan3A_87, %mul3A_89 : i32
      %get3A_91 = arith.index_cast %mul3A_90 : i32 to index
      %get3A_92 = tpu.vector_load %arg4[%get3A_91] {strides = array<i32>} : memref<768xi32, #tpu.memory_space<vmem>>, vector<16xi32>,
      %get3A_93 = vector.shape_cast %get3A_92 : vector<16xi32> to vector<16xi32>
      %ge3A = arith.cmpi sge, %get3A_93, %add3A_15 : vector<16xi32>
      %select_n3A = arith.select %ge3A, %broadcast_in_dim3A_1, %broadcast_in_dim3A_3 : vector<16xi1>, vector<16xi32>
      %add3A_94 = arith.addi %scan3A_88, %select_n3A : vector<16xi32>
      scf.yield %add3A_94 : vector<16xi32>
    }
    %scan3A_21 = arith.constant 48 : i32
    %swap3A = arith.constant 0 : index
    %swap3A_22 = tpu.vector_load %arg6[%swap3A] {strides = array<i32>} : memref<32xi32, #tpu.memory_space<vmem>>, vector<16xi32>,
    %swap3A_23 = vector.shape_cast %swap3A_22 : vector<16xi32> to vector<16xi32>
    %swap3A_24 = vector.shape_cast %scan3A_20 : vector<16xi32> to vector<16xi32>
    tpu.vector_store %arg6[%swap3A], %swap3A_24 {strides = array<i32>} : memref<32xi32, #tpu.memory_space<vmem>>, vector<16xi32>,
    %swap3A_25 = arith.constant 16 : index
    %swap3A_26 = tpu.vector_load %arg6[%swap3A_25] {strides = array<i32>} : memref<32xi32, #tpu.memory_space<vmem>>, vector<16xi32>,
    %swap3A_27 = vector.shape_cast %swap3A_26 : vector<16xi32> to vector<16xi32>
    %swap3A_28 = vector.shape_cast %scan3A_20 : vector<16xi32> to vector<16xi32>
    tpu.vector_store %arg6[%swap3A_25], %swap3A_28 {strides = array<i32>} : memref<32xi32, #tpu.memory_space<vmem>>, vector<16xi32>,
    %get3A = arith.constant 8 : index
    %get3A_29 = tpu.vector_load %arg6[%get3A] {strides = array<i32>} : memref<32xi32, #tpu.memory_space<vmem>>, vector<16xi32>,
    %get3A_30 = vector.shape_cast %get3A_29 : vector<16xi32> to vector<16xi32>
    %add3A_31 = arith.addi %scan3A_20, %get3A_30 : vector<16xi32>
    %swap3A_32 = arith.constant 0 : index
    %swap3A_33 = tpu.vector_load %arg6[%swap3A_32] {strides = array<i32>} : memref<32xi32, #tpu.memory_space<vmem>>, vector<16xi32>,
    %swap3A_34 = vector.shape_cast %swap3A_33 : vector<16xi32> to vector<16xi32>
    %swap3A_35 = vector.shape_cast %add3A_31 : vector<16xi32> to vector<16xi32>
    tpu.vector_store %arg6[%swap3A_32], %swap3A_35 {strides = array<i32>} : memref<32xi32, #tpu.memory_space<vmem>>, vector<16xi32>,
    %swap3A_36 = arith.constant 16 : index
    %swap3A_37 = tpu.vector_load %arg6[%swap3A_36] {strides = array<i32>} : memref<32xi32, #tpu.memory_space<vmem>>, vector<16xi32>,
    %swap3A_38 = vector.shape_cast %swap3A_37 : vector<16xi32> to vector<16xi32>
    %swap3A_39 = vector.shape_cast %add3A_31 : vector<16xi32> to vector<16xi32>
    tpu.vector_store %arg6[%swap3A_36], %swap3A_39 {strides = array<i32>} : memref<32xi32, #tpu.memory_space<vmem>>, vector<16xi32>,
    %get3A_40 = arith.constant 4 : index
    %get3A_41 = tpu.vector_load %arg6[%get3A_40] {strides = array<i32>} : memref<32xi32, #tpu.memory_space<vmem>>, vector<16xi32>,
    %get3A_42 = vector.shape_cast %get3A_41 : vector<16xi32> to vector<16xi32>
    %add3A_43 = arith.addi %add3A_31, %get3A_42 : vector<16xi32>
    %swap3A_44 = arith.constant 0 : index
    %swap3A_45 = tpu.vector_load %arg6[%swap3A_44] {strides = array<i32>} : memref<32xi32, #tpu.memory_space<vmem>>, vector<16xi32>,
    %swap3A_46 = vector.shape_cast %swap3A_45 : vector<16xi32> to vector<16xi32>
    %swap3A_47 = vector.shape_cast %add3A_43 : vector<16xi32> to vector<16xi32>
    tpu.vector_store %arg6[%swap3A_44], %swap3A_47 {strides = array<i32>} : memref<32xi32, #tpu.memory_space<vmem>>, vector<16xi32>,
    %swap3A_48 = arith.constant 16 : index
    %swap3A_49 = tpu.vector_load %arg6[%swap3A_48] {strides = array<i32>} : memref<32xi32, #tpu.memory_space<vmem>>, vector<16xi32>,
    %swap3A_50 = vector.shape_cast %swap3A_49 : vector<16xi32> to vector<16xi32>
    %swap3A_51 = vector.shape_cast %add3A_43 : vector<16xi32> to vector<16xi32>
    tpu.vector_store %arg6[%swap3A_48], %swap3A_51 {strides = array<i32>} : memref<32xi32, #tpu.memory_space<vmem>>, vector<16xi32>,
    %get3A_52 = arith.constant 2 : index
    %get3A_53 = tpu.vector_load %arg6[%get3A_52] {strides = array<i32>} : memref<32xi32, #tpu.memory_space<vmem>>, vector<16xi32>,
    %get3A_54 = vector.shape_cast %get3A_53 : vector<16xi32> to vector<16xi32>
    %add3A_55 = arith.addi %add3A_43, %get3A_54 : vector<16xi32>
    %swap3A_56 = arith.constant 0 : index
    %swap3A_57 = tpu.vector_load %arg6[%swap3A_56] {strides = array<i32>} : memref<32xi32, #tpu.memory_space<vmem>>, vector<16xi32>,
    %swap3A_58 = vector.shape_cast %swap3A_57 : vector<16xi32> to vector<16xi32>
    %swap3A_59 = vector.shape_cast %add3A_55 : vector<16xi32> to vector<16xi32>
    tpu.vector_store %arg6[%swap3A_56], %swap3A_59 {strides = array<i32>} : memref<32xi32, #tpu.memory_space<vmem>>, vector<16xi32>,
    %swap3A_60 = arith.constant 16 : index
    %swap3A_61 = tpu.vector_load %arg6[%swap3A_60] {strides = array<i32>} : memref<32xi32, #tpu.memory_space<vmem>>, vector<16xi32>,
    %swap3A_62 = vector.shape_cast %swap3A_61 : vector<16xi32> to vector<16xi32>
    %swap3A_63 = vector.shape_cast %add3A_55 : vector<16xi32> to vector<16xi32>
    tpu.vector_store %arg6[%swap3A_60], %swap3A_63 {strides = array<i32>} : memref<32xi32, #tpu.memory_space<vmem>>, vector<16xi32>,
    %get3A_64 = arith.constant 1 : index
    %get3A_65 = tpu.vector_load %arg6[%get3A_64] {strides = array<i32>} : memref<32xi32, #tpu.memory_space<vmem>>, vector<16xi32>,
    %get3A_66 = vector.shape_cast %get3A_65 : vector<16xi32> to vector<16xi32>
    %add3A_67 = arith.addi %add3A_55, %get3A_66 : vector<16xi32>
    %sub3A = arith.constant 384 : i32
    %sub3A_68 = vector.broadcast %sub3A : i32 to vector<16xi32>
    %sub3A_69 = arith.subi %sub3A_68, %add3A_67 : vector<16xi32>
    %broadcast_in_dim3A_70 = arith.constant 0 : i32
    %broadcast_in_dim3A_71 = vector.broadcast %broadcast_in_dim3A_70 : i32 to vector<16xi32>
    %broadcast_in_dim3A_72 = arith.constant 767 : i32
    %broadcast_in_dim3A_73 = vector.broadcast %broadcast_in_dim3A_72 : i32 to vector<16xi32>
    %scan3A_74 = arith.constant 0 : i32
    %scan3A_75 = arith.constant 10 : i32
    %scan3A_76 = arith.addi %scan3A_74, %scan3A_75 : i32
    %scan3A_77 = arith.constant 1 : i32
    %scan3A_78:2 = scf.for %scan3A_87 = %scan3A_74 to %scan3A_76 step %scan3A_77 iter_args(%scan3A_88 = %broadcast_in_dim3A_71, %scan3A_89 = %broadcast_in_dim3A_73) -> (vector<16xi32>, vector<16xi32>)  : i32 {
      %add3A_90 = arith.addi %scan3A_88, %scan3A_89 : vector<16xi32>
      %shift_right_arithmetic3A = arith.constant 1 : i32
      %shift_right_arithmetic3A_91 = vector.broadcast %shift_right_arithmetic3A : i32 to vector<16xi32>
      %shift_right_arithmetic3A_92 = arith.shrsi %add3A_90, %shift_right_arithmetic3A_91 : vector<16xi32>
      %scan3A_93 = arith.constant 0 : i32
      %scan3A_94 = arith.constant 48 : i32
      %scan3A_95 = arith.addi %scan3A_93, %scan3A_94 : i32
      %scan3A_96 = arith.constant 1 : i32
      %scan3A_97 = scf.for %scan3A_151 = %scan3A_93 to %scan3A_95 step %scan3A_96 iter_args(%scan3A_152 = %broadcast_in_dim3A_3) -> (vector<16xi32>)  : i32 {
        %mul3A_153 = arith.constant 16 : i32
        %mul3A_154 = arith.muli %scan3A_151, %mul3A_153 : i32
        %get3A_155 = arith.index_cast %mul3A_154 : i32 to index
        %get3A_156 = tpu.vector_load %arg4[%get3A_155] {strides = array<i32>} : memref<768xi32, #tpu.memory_space<vmem>>, vector<16xi32>,
        %get3A_157 = vector.shape_cast %get3A_156 : vector<16xi32> to vector<16xi32>
        %mul3A_158 = arith.constant 16 : i32
        %mul3A_159 = arith.muli %scan3A_151, %mul3A_158 : i32
        %add3A_160 = vector.broadcast %mul3A_159 : i32 to vector<16xi32>
        %add3A_161 = arith.addi %iota3A, %add3A_160 : vector<16xi32>
        %eq3A = arith.cmpi eq, %get3A_157, %scan3A_11#0 : vector<16xi32>
        %le3A = arith.cmpi sle, %add3A_161, %shift_right_arithmetic3A_92 : vector<16xi32>
        %and3A = arith.andi %eq3A, %le3A : vector<16xi1>
        %select_n3A_162 = arith.select %and3A, %broadcast_in_dim3A_1, %broadcast_in_dim3A_3 : vector<16xi1>, vector<16xi32>
        %add3A_163 = arith.addi %scan3A_152, %select_n3A_162 : vector<16xi32>
        scf.yield %add3A_163 : vector<16xi32>
      }
      %scan3A_98 = arith.constant 48 : i32
      %swap3A_99 = arith.constant 0 : index
      %swap3A_100 = tpu.vector_load %arg6[%swap3A_99] {strides = array<i32>} : memref<32xi32, #tpu.memory_space<vmem>>, vector<16xi32>,
      %swap3A_101 = vector.shape_cast %swap3A_100 : vector<16xi32> to vector<16xi32>
      %swap3A_102 = vector.shape_cast %scan3A_97 : vector<16xi32> to vector<16xi32>
      tpu.vector_store %arg6[%swap3A_99], %swap3A_102 {strides = array<i32>} : memref<32xi32, #tpu.memory_space<vmem>>, vector<16xi32>,
      %swap3A_103 = arith.constant 16 : index
      %swap3A_104 = tpu.vector_load %arg6[%swap3A_103] {strides = array<i32>} : memref<32xi32, #tpu.memory_space<vmem>>, vector<16xi32>,
      %swap3A_105 = vector.shape_cast %swap3A_104 : vector<16xi32> to vector<16xi32>
      %swap3A_106 = vector.shape_cast %scan3A_97 : vector<16xi32> to vector<16xi32>
      tpu.vector_store %arg6[%swap3A_103], %swap3A_106 {strides = array<i32>} : memref<32xi32, #tpu.memory_space<vmem>>, vector<16xi32>,
      %get3A_107 = arith.constant 8 : index
      %get3A_108 = tpu.vector_load %arg6[%get3A_107] {strides = array<i32>} : memref<32xi32, #tpu.memory_space<vmem>>, vector<16xi32>,
      %get3A_109 = vector.shape_cast %get3A_108 : vector<16xi32> to vector<16xi32>
      %add3A_110 = arith.addi %scan3A_97, %get3A_109 : vector<16xi32>
      %swap3A_111 = arith.constant 0 : index
      %swap3A_112 = tpu.vector_load %arg6[%swap3A_111] {strides = array<i32>} : memref<32xi32, #tpu.memory_space<vmem>>, vector<16xi32>,
      %swap3A_113 = vector.shape_cast %swap3A_112 : vector<16xi32> to vector<16xi32>
      %swap3A_114 = vector.shape_cast %add3A_110 : vector<16xi32> to vector<16xi32>
      tpu.vector_store %arg6[%swap3A_111], %swap3A_114 {strides = array<i32>} : memref<32xi32, #tpu.memory_space<vmem>>, vector<16xi32>,
      %swap3A_115 = arith.constant 16 : index
      %swap3A_116 = tpu.vector_load %arg6[%swap3A_115] {strides = array<i32>} : memref<32xi32, #tpu.memory_space<vmem>>, vector<16xi32>,
      %swap3A_117 = vector.shape_cast %swap3A_116 : vector<16xi32> to vector<16xi32>
      %swap3A_118 = vector.shape_cast %add3A_110 : vector<16xi32> to vector<16xi32>
      tpu.vector_store %arg6[%swap3A_115], %swap3A_118 {strides = array<i32>} : memref<32xi32, #tpu.memory_space<vmem>>, vector<16xi32>,
      %get3A_119 = arith.constant 4 : index
      %get3A_120 = tpu.vector_load %arg6[%get3A_119] {strides = array<i32>} : memref<32xi32, #tpu.memory_space<vmem>>, vector<16xi32>,
      %get3A_121 = vector.shape_cast %get3A_120 : vector<16xi32> to vector<16xi32>
      %add3A_122 = arith.addi %add3A_110, %get3A_121 : vector<16xi32>
      %swap3A_123 = arith.constant 0 : index
      %swap3A_124 = tpu.vector_load %arg6[%swap3A_123] {strides = array<i32>} : memref<32xi32, #tpu.memory_space<vmem>>, vector<16xi32>,
      %swap3A_125 = vector.shape_cast %swap3A_124 : vector<16xi32> to vector<16xi32>
      %swap3A_126 = vector.shape_cast %add3A_122 : vector<16xi32> to vector<16xi32>
      tpu.vector_store %arg6[%swap3A_123], %swap3A_126 {strides = array<i32>} : memref<32xi32, #tpu.memory_space<vmem>>, vector<16xi32>,
      %swap3A_127 = arith.constant 16 : index
      %swap3A_128 = tpu.vector_load %arg6[%swap3A_127] {strides = array<i32>} : memref<32xi32, #tpu.memory_space<vmem>>, vector<16xi32>,
      %swap3A_129 = vector.shape_cast %swap3A_128 : vector<16xi32> to vector<16xi32>
      %swap3A_130 = vector.shape_cast %add3A_122 : vector<16xi32> to vector<16xi32>
      tpu.vector_store %arg6[%swap3A_127], %swap3A_130 {strides = array<i32>} : memref<32xi32, #tpu.memory_space<vmem>>, vector<16xi32>,
      %get3A_131 = arith.constant 2 : index
      %get3A_132 = tpu.vector_load %arg6[%get3A_131] {strides = array<i32>} : memref<32xi32, #tpu.memory_space<vmem>>, vector<16xi32>,
      %get3A_133 = vector.shape_cast %get3A_132 : vector<16xi32> to vector<16xi32>
      %add3A_134 = arith.addi %add3A_122, %get3A_133 : vector<16xi32>
      %swap3A_135 = arith.constant 0 : index
      %swap3A_136 = tpu.vector_load %arg6[%swap3A_135] {strides = array<i32>} : memref<32xi32, #tpu.memory_space<vmem>>, vector<16xi32>,
      %swap3A_137 = vector.shape_cast %swap3A_136 : vector<16xi32> to vector<16xi32>
      %swap3A_138 = vector.shape_cast %add3A_134 : vector<16xi32> to vector<16xi32>
      tpu.vector_store %arg6[%swap3A_135], %swap3A_138 {strides = array<i32>} : memref<32xi32, #tpu.memory_space<vmem>>, vector<16xi32>,
      %swap3A_139 = arith.constant 16 : index
      %swap3A_140 = tpu.vector_load %arg6[%swap3A_139] {strides = array<i32>} : memref<32xi32, #tpu.memory_space<vmem>>, vector<16xi32>,
      %swap3A_141 = vector.shape_cast %swap3A_140 : vector<16xi32> to vector<16xi32>
      %swap3A_142 = vector.shape_cast %add3A_134 : vector<16xi32> to vector<16xi32>
      tpu.vector_store %arg6[%swap3A_139], %swap3A_142 {strides = array<i32>} : memref<32xi32, #tpu.memory_space<vmem>>, vector<16xi32>,
      %get3A_143 = arith.constant 1 : index
      %get3A_144 = tpu.vector_load %arg6[%get3A_143] {strides = array<i32>} : memref<32xi32, #tpu.memory_space<vmem>>, vector<16xi32>,
      %get3A_145 = vector.shape_cast %get3A_144 : vector<16xi32> to vector<16xi32>
      %add3A_146 = arith.addi %add3A_134, %get3A_145 : vector<16xi32>
      %ge3A = arith.cmpi sge, %add3A_146, %sub3A_69 : vector<16xi32>
      %broadcast_in_dim3A_147 = arith.constant 1 : i32
      %broadcast_in_dim3A_148 = vector.broadcast %broadcast_in_dim3A_147 : i32 to vector<16xi32>
      %add3A_149 = arith.addi %shift_right_arithmetic3A_92, %broadcast_in_dim3A_148 : vector<16xi32>
      %select_n3A = arith.select %ge3A, %scan3A_88, %add3A_149 : vector<16xi1>, vector<16xi32>
      %select_n3A_150 = arith.select %ge3A, %shift_right_arithmetic3A_92, %scan3A_89 : vector<16xi1>, vector<16xi32>
      scf.yield %select_n3A, %select_n3A_150 : vector<16xi32>, vector<16xi32>
    }
    %scan3A_79 = arith.constant 10 : i32
    %scan3A_80 = arith.constant 0 : i32
    %scan3A_81 = arith.constant 0 : i32
    %scan3A_82 = arith.constant 48 : i32
    %scan3A_83 = arith.addi %scan3A_81, %scan3A_82 : i32
    %scan3A_84 = arith.constant 1 : i32
    %scan3A_85 = scf.for %scan3A_87 = %scan3A_81 to %scan3A_83 step %scan3A_84 iter_args(%scan3A_88 = %scan3A_80) -> (i32)  : i32 {
      %mul3A_89 = arith.constant 16 : i32
      %mul3A_90 = arith.muli %scan3A_87, %mul3A_89 : i32
      %get3A_91 = arith.index_cast %mul3A_90 : i32 to index
      %get3A_92 = tpu.vector_load %arg4[%get3A_91] {strides = array<i32>} : memref<768xi32, #tpu.memory_space<vmem>>, vector<16xi32>,
      %get3A_93 = vector.shape_cast %get3A_92 : vector<16xi32> to vector<16xi32>
      %mul3A_94 = arith.constant 16 : i32
      %mul3A_95 = arith.muli %scan3A_87, %mul3A_94 : i32
      %add3A_96 = vector.broadcast %mul3A_95 : i32 to vector<16xi32>
      %add3A_97 = arith.addi %iota3A, %add3A_96 : vector<16xi32>
      %gt3A = arith.cmpi sgt, %get3A_93, %scan3A_11#0 : vector<16xi32>
      %eq3A = arith.cmpi eq, %get3A_93, %scan3A_11#0 : vector<16xi32>
      %le3A = arith.cmpi sle, %add3A_97, %scan3A_78#0 : vector<16xi32>
      %and3A = arith.andi %eq3A, %le3A : vector<16xi1>
      %or3A = arith.ori %gt3A, %and3A : vector<16xi1>
      %jit3A = arith.constant 1.000000e+00 : f32
      %jit3A_98 = arith.constant 0.000000e+00 : f32
      %broadcast_in_dim3A_99 = vector.broadcast %jit3A : f32 to vector<16xf32>
      %broadcast_in_dim3A_100 = vector.broadcast %jit3A_98 : f32 to vector<16xf32>
      %select_n3A = arith.select %or3A, %broadcast_in_dim3A_99, %broadcast_in_dim3A_100 : vector<16xi1>, vector<16xf32>
      %mul3A_101 = arith.constant 16 : i32
      %mul3A_102 = arith.muli %scan3A_87, %mul3A_101 : i32
      %swap3A_103 = arith.index_cast %mul3A_102 : i32 to index
      %swap3A_104 = tpu.vector_load %arg5[%swap3A_103] {strides = array<i32>} : memref<768xf32, #tpu.memory_space<vmem>>, vector<16xf32>,
      %swap3A_105 = vector.shape_cast %swap3A_104 : vector<16xf32> to vector<16xf32>
      %swap3A_106 = vector.shape_cast %select_n3A : vector<16xf32> to vector<16xf32>
      tpu.vector_store %arg5[%swap3A_103], %swap3A_106 {strides = array<i32>} : memref<768xf32, #tpu.memory_space<vmem>>, vector<16xf32>,
      %scan3A_107 = arith.constant 0 : i32
      scf.yield %scan3A_107 : i32
    }
    %scan3A_86 = arith.constant 48 : i32
    "tpu.region"() ({
      %run_scoped3A = tpu.sem_alloc : memref<!tpu.dma_semaphore, #tpu.memory_space<semaphore_mem>>
      %dma_start3A = arith.constant 0 : i32
      %dma_start3A_87 = tpu.memref_slice %arg3[%add3A, %dma_start3A] : memref<32x768xf32, #tpu.memory_space<hbm>> -> memref<1x768xf32, #tpu.memory_space<hbm>>
      %dma_start3A_88 = tpu.memref_squeeze %dma_start3A_87 : memref<1x768xf32, #tpu.memory_space<hbm>> -> memref<768xf32, #tpu.memory_space<hbm>>
      %dma_start3A_89 = arith.constant 0 : i32
      %dma_start3A_90 = tpu.memref_slice %arg3[%add3A, %dma_start3A_89] : memref<32x768xf32, #tpu.memory_space<hbm>> -> memref<1x768xf32, #tpu.memory_space<hbm>>
      %dma_start3A_91 = tpu.memref_squeeze %dma_start3A_90 : memref<1x768xf32, #tpu.memory_space<hbm>> -> memref<768xf32, #tpu.memory_space<hbm>>
      tpu.enqueue_dma source(%arg5 : memref<768xf32, #tpu.memory_space<vmem>>) target(%dma_start3A_91 : memref<768xf32, #tpu.memory_space<hbm>>) target_semaphore(%run_scoped3A : memref<!tpu.dma_semaphore, #tpu.memory_space<semaphore_mem>>)
      %dma_wait3A = arith.constant 0 : i32
      %dma_wait3A_92 = tpu.memref_slice %arg3[%add3A, %dma_wait3A] : memref<32x768xf32, #tpu.memory_space<hbm>> -> memref<1x768xf32, #tpu.memory_space<hbm>>
      %dma_wait3A_93 = tpu.memref_squeeze %dma_wait3A_92 : memref<1x768xf32, #tpu.memory_space<hbm>> -> memref<768xf32, #tpu.memory_space<hbm>>
      %dma_wait3A_94 = arith.constant 0 : i32
      %dma_wait3A_95 = tpu.memref_slice %arg3[%add3A, %dma_wait3A_94] : memref<32x768xf32, #tpu.memory_space<hbm>> -> memref<1x768xf32, #tpu.memory_space<hbm>>
      %dma_wait3A_96 = tpu.memref_squeeze %dma_wait3A_95 : memref<1x768xf32, #tpu.memory_space<hbm>> -> memref<768xf32, #tpu.memory_space<hbm>>
      tpu.wait_dma2 semaphore(%run_scoped3A : memref<!tpu.dma_semaphore, #tpu.memory_space<semaphore_mem>>) src(%arg5 : memref<768xf32, #tpu.memory_space<vmem>>) dst(%dma_wait3A_96 : memref<768xf32, #tpu.memory_space<hbm>>)
      tpu.yield
    }) : () -> ()
    return
  }
}

module attributes {stable_mosaic.version = 14 : i64} {
  func.func @_scores_body(%arg0: i32, %arg1: i32, %arg2: memref<4x128x56x56xf32, #tpu.memory_space<vmem>>, %arg3: memref<1x4x128xf32, #tpu.memory_space<vmem>>) attributes {dimension_semantics = [#tpu.dimension_semantics<parallel>, #tpu.dimension_semantics<parallel>], iteration_bounds = array<i64: 8, 6>, scalar_prefetch = 0 : i64, scratch_operands = 0 : i64, tpu.core_type = #tpu.core_type<tc>, window_params = [{transform_indices = @transform_0, window_bounds = array<i64: 4, 128, 56, 56>}, {transform_indices = @transform_1, window_bounds = array<i64: 1, 4, 128>}]} {
    %get3A = arith.constant 0 : index
    %get3A_0 = arith.constant 0 : index
    %get3A_1 = arith.constant 0 : index
    %get3A_2 = arith.constant 0 : index
    %get3A_3 = vector.load %arg2[%get3A, %get3A_0, %get3A_1, %get3A_2] : memref<4x128x56x56xf32, #tpu.memory_space<vmem>>, vector<4x128x56x56xf32>
    %abs3A = math.absf %get3A_3 : vector<4x128x56x56xf32>
    %reduce_sum3A = arith.constant dense<0.000000e+00> : vector<4x128xf32>
    %reduce_sum3A_4 = vector.multi_reduction <add>, %abs3A, %reduce_sum3A [2, 3] : vector<4x128x56x56xf32> to vector<4x128xf32>
    %broadcast_in_dim3A = vector.shape_cast %reduce_sum3A_4 : vector<4x128xf32> to vector<1x4x128xf32>
    %swap3A = arith.constant 0 : index
    %swap3A_5 = arith.constant 0 : index
    %swap3A_6 = arith.constant 0 : index
    %swap3A_7 = vector.load %arg3[%swap3A, %swap3A_5, %swap3A_6] : memref<1x4x128xf32, #tpu.memory_space<vmem>>, vector<1x4x128xf32>
    tpu.vector_store %arg3[%swap3A, %swap3A_5, %swap3A_6], %broadcast_in_dim3A {strides = array<i32>} : memref<1x4x128xf32, #tpu.memory_space<vmem>>, vector<1x4x128xf32>,
    return
  }
  func.func @transform_0(%arg0: i32, %arg1: i32) -> (i32, i32, i32, i32) {
    %c0_i32 = arith.constant 0 : i32
    %c0_i32_0 = arith.constant 0 : i32
    %c0_i32_1 = arith.constant 0 : i32
    return %arg0, %arg1, %c0_i32, %c0_i32_0 : i32, i32, i32, i32
  }
  func.func @transform_1(%arg0: i32, %arg1: i32) -> (i32, i32, i32) {
    %c0_i32 = arith.constant 0 : i32
    %c0_i32_0 = arith.constant 0 : i32
    return %arg0, %c0_i32, %arg1 : i32, i32, i32
  }
}

</mosaic_0001>

<sc_bundles>
// kernel: kernel.4.cloned.1.call-start
scs
__scs_entry_jumppad:
0x0: {  	(pc) =	sbr.rel $0x88, $3  }
0x1: {  	(tag) =	ssettag $0x0;
	lr =	simm.s32 $0x1  }
0x2: {  	[smem:$0x3F9F] =	sst lr;
	_ =	strace $0xD0000000  }
0x3: {  	_ = 	snop  }
0x4: {  	_ = 	snop  }
0x5: {  	_ = 	snop  }
0x6: {  	_ = 	snop  }
0x7: {  	_ = 	snop  }
__scs_overlays_trampoline_lowered:
0x8: {  	[smem:$0x3FAE] =	sst s0  }
0x9: {  	[smem:$0x3FAF] =	sst s1  }
0xa: {  	[smem:$0x3FB0] =	sst s2  }
0xb: {  	[smem:$0x3FB1] =	sst s3  }
0xc: {  	[smem:$0x3FB2] =	sst s4  }
0xd: {  	[smem:$0x3FB3] =	sst s5  }
0xe: {  	[smem:$0x3FB4] =	sst s6  }
0xf: {  	[smem:$0x3FB5] =	sst s7  }
0x10: {  	[smem:$0x3FB6] =	sst s8  }
0x11: {  	[smem:$0x3FB7] =	sst s9;
	s0 =	simm.s32 @!p0 $0x0  }
0x12: {  	s1 =	sld [smem:$0x3F9D];
	s0 =	simm.s32 @p0 $0x1  }
0x13: {  	[smem:$0x3FB8] =	sst s0;
	s0 =	simm.s32 @!p1 $0x0  }
0x14: {  	s2 =	sld [smem:$0x3F9C];
	s0 =	simm.s32 @p1 $0x1  }
0x15: {  	[smem:$0x3FB9] =	sst s0;
	s0 =	simm.s32 @!p2 $0x0  }
0x16: {  	s3 =	sld [smem:$0x3FDB];
	s0 =	simm.s32 @p2 $0x1  }
0x17: {  	s4 =	simm.s32 $0x1BF5;
	[smem:$0x3FBB] =	sst s0  }
0x18: {  	s0 =	sld [smem:$0x3F9E];
	_ =	swait.ge [sflag:s4], $0x0  }
0x19: {  	s7 =	sld [smem:$0x3F9F]  }
0x1a: {  	s8 =	sadd.s32 $0xFFFFE003, lr  }
0x1b: {  	s9 =	sadd.s32 $0xFFFFFEF7, lr;
	s5 =	simm.s32 $0xFFFFFFFF;
	p2 =	slt.u32 s8, $0xFFFFF086  }
0x1c: {  	p1 =	slt.u32 s9, $0xF7A;
	s5 =	simm.s32 @!p2 $0x0  }
0x1d: {  	s5 =	simm.s32 @p1 $0x1;
	p0 =	seq.s32 s7, s2  }
0x1e: {  	s7 =	smul.u32 @!p0 $0xF7A, s2;
	p2 =	seq.s32 @!p0 s5, $0x0  }
0x1f: {  	s9 =	smul.u32 $0xF7A, s1;
	s8 =	simm.s32 @!p0 $0x1BF5;
	p2 =	por !p2, p0  }
0x20: {  	[sflag:s8] =	ssyncset.s32 @!p0 $0xFFFFF086;
	s6 =	sadd.s32 @!p0 s3, s7;
	s7 =	simm.s32 @!p0 $0x108  }
0x21: {  	s3 =	sadd.s32 s3, s9;
	s6 =	sadd.s32 @!p0 $0x88, s6;
	s7 =	simm.s32 @p2 $0x1082  }
0x22: {  	[simem:s7], [sflag:s8] =	dma.local @!p0 [hbm:s6], $0xF7A  }
0x23: {  	s9 =	sor.u32 $0xD0000000, s2;
	s6 =	simm.s32 $0x108;
	_ =	swait.ge @!p0 [sflag:s8], $0x0  }
0x24: {  	s3 =	sadd.s32 $0x88, s3;
	s6 =	simm.s32 @!p1 $0x1082;
	[sflag:s4] =	ssyncset.s32 $0xFFFFF086  }
0x25: {  	[simem:s6], [sflag:s4] =	dma.local [hbm:s3], $0xF7A  }
0x26: {  	[smem:$0x3F9F] =	sst s1;
	(tag) =	ssettag s2;
	_ =	strace s9  }
0x27: {  	s1 =	sld [smem:$0x3FAF]  }
0x28: {  	s2 =	sld [smem:$0x3FB0]  }
0x29: {  	s4 =	sld [smem:$0x3FB2]  }
0x2a: {  	p0 =	seq.s32 s5, $0x0;
	s5 =	sld [smem:$0x3FB3]  }
0x2b: {  	s6 =	sld [smem:$0x3FB4]  }
0x2c: {  	s7 =	sld [smem:$0x3FB5]  }
0x2d: {  	s3 =	simm.s32 $0x108;
	s8 =	sld [smem:$0x3FB6]  }
0x2e: {  	s3 =	simm.s32 @!p0 $0x1082;
	s9 =	sld [smem:$0x3FB7]  }
0x2f: {  	lr =	sadd.s32 s0, s3;
	s0 =	sld [smem:$0x3FAE]  }
0x30: {  	s3 =	sld [smem:$0x3FB1]  }
0x31: {  	[smem:$0x3FBA] =	sst s10  }
0x32: {  	s10 =	sld [smem:$0x3FB8];
	_ =	sdelay $0x3  }
0x33: {  	p0 =	seq.s32 s10, $0x1;
	s10 =	sld [smem:$0x3FBA];
	_ =	sdelay $0x3  }
0x34: {  	[smem:$0x3FBA] =	sst s10  }
0x35: {  	s10 =	sld [smem:$0x3FB9];
	_ =	sdelay $0x3  }
0x36: {  	p1 =	seq.s32 s10, $0x1;
	s10 =	sld [smem:$0x3FBA];
	_ =	sdelay $0x3  }
0x37: {  	[smem:$0x3FBA] =	sst s10  }
0x38: {  	s10 =	sld [smem:$0x3FBB]  }
0x39: {  	_ = 	snop;
	(pc) =	sbr.ind lr, $3  }
0x3a: {  	_ = 	snop  }
0x3b: {  	_ = 	snop  }
0x3c: {  	p2 =	seq.s32 s10, $0x1;
	s10 =	sld [smem:$0x3FBA]  }
0x3d: {  	_ =	shalt  }
0x3e: {  	_ =	shalt  }
0x3f: {  	_ =	shalt  }
0x40: {  	_ =	shalt  }
0x41: {  	_ =	shalt  }
0x42: {  	_ =	shalt  }
0x43: {  	_ =	shalt  }
0x44: {  	_ =	shalt  }
0x45: {  	_ =	shalt  }
0x46: {  	_ =	shalt  }
0x47: {  	_ =	shalt  }
0x48: {  	_ =	shalt  }
0x49: {  	_ =	shalt  }
0x4a: {  	_ =	shalt  }
0x4b: {  	_ =	shalt  }
0x4c: {  	_ =	shalt  }
0x4d: {  	_ =	shalt  }
0x4e: {  	_ =	shalt  }
0x4f: {  	_ =	shalt  }
0x50: {  	_ =	shalt  }
0x51: {  	_ =	shalt  }
0x52: {  	_ =	shalt  }
0x53: {  	_ =	shalt  }
0x54: {  	_ =	shalt  }
0x55: {  	_ =	shalt  }
0x56: {  	_ =	shalt  }
0x57: {  	_ =	shalt  }
0x58: {  	_ =	shalt  }
0x59: {  	_ =	shalt  }
0x5a: {  	_ =	shalt  }
0x5b: {  	_ =	shalt  }
0x5c: {  	_ =	shalt  }
0x5d: {  	_ =	shalt  }
0x5e: {  	_ =	shalt  }
0x5f: {  	_ =	shalt  }
0x60: {  	_ =	shalt  }
0x61: {  	_ =	shalt  }
0x62: {  	_ =	shalt  }
0x63: {  	_ =	shalt  }
0x64: {  	_ =	shalt  }
0x65: {  	_ =	shalt  }
0x66: {  	_ =	shalt  }
0x67: {  	_ =	shalt  }
0x68: {  	_ =	shalt  }
0x69: {  	_ =	shalt  }
0x6a: {  	_ =	shalt  }
0x6b: {  	_ =	shalt  }
0x6c: {  	_ =	shalt  }
0x6d: {  	_ =	shalt  }
0x6e: {  	_ =	shalt  }
0x6f: {  	_ =	shalt  }
0x70: {  	_ =	shalt  }
0x71: {  	_ =	shalt  }
0x72: {  	_ =	shalt  }
0x73: {  	_ =	shalt  }
0x74: {  	_ =	shalt  }
0x75: {  	_ =	shalt  }
0x76: {  	_ =	shalt  }
0x77: {  	_ =	shalt  }
0x78: {  	_ =	shalt  }
0x79: {  	_ =	shalt  }
0x7a: {  	_ =	shalt  }
0x7b: {  	_ =	shalt  }
0x7c: {  	_ =	shalt  }
0x7d: {  	_ =	shalt  }
0x7e: {  	_ =	shalt  }
0x7f: {  	_ =	shalt  }
0x80: {  	_ =	shalt  }
0x81: {  	_ =	shalt  }
0x82: {  	_ =	shalt  }
0x83: {  	_ =	shalt  }
0x84: {  	_ =	shalt  }
0x85: {  	_ =	shalt  }
0x86: {  	_ =	shalt  }
0x87: {  	_ =	shalt  }
.Lfunc_end0:
.L_simem_size_0:
called_computation_lowered:
.L_overlay_start_0:
0x88: {  	s2 =	sld [smem:$0x3FD9]  }
0x89: {  	s3 =	sld [smem:$0x3FFE];
	_ =	sdelay $0x1  }
0x8a: {  	s1 =	srdreg.scid  }
0x8b: {  	s0 =	sand.u32 $0x1, s1  }
0x8c: {  	s17 =	sshll.u32 s0, $0xA;
	s2 =	sadd.s32 s3, s2  }
0x8d: {  	s2 =	sadd.s32 s2, s17  }
0x8e: {  	[smem:$0x3FC6] =	sst s2  }
0x8f: {  	_ = 	snop  }
0x90: {  	s2 =	sld [smem:$0x3FD0];
	(tm) =	ssettm $0x1  }
0x91: {  	s18 =	sld [smem:$0x3FFB];
	_ =	sdelay $0x3  }
0x92: {  	_ =	strace s18  }
0x93: {  	s3 =	sld [smem:$0x3FFC];
	_ =	sdelay $0x3  }
0x94: {  	_ =	strace s3  }
0x95: {  	s3 =	sld [smem:$0x3FFD];
	_ =	sdelay $0x3  }
0x96: {  	_ =	strace s3  }
0x97: {  	_ =	strace $0x8FFFFFFF  }
0x98: {  	s19 =	sld [smem:$0x3FDB];
	_ =	sdelay $0x1  }
0x99: {  	s4 =	simm.s32 $_scs_section_size  }
0x9a: {  	s5 =	simm.s32 $_size__tile_overlayer_lowered;
	s6 =	simm.s32 $_tile_overlayer_lowered  }
0x9b: {  	s22 =	simm.s32 $0x1BFF;
	s21 =	sshll.u32 s6, $0x1;
	s3 =	sadd.s32 s4, s19  }
0x9c: {  	s7 =	simm.s32 $0x0;
	s20 =	sshll.u32 s5, $0x1;
	s5 =	sadd.s32 s21, s3  }
0x9d: {  	[timem:s7], [sflag:s22] =	dma.local [hbm:s5], s20  }
0x9e: {  	_ =	swait.ge [sflag:s22], s20  }
0x9f: {  	s4 =	ssub.s32 $0x0, s20;
	[sflag:s22] =	ssyncset.done $0x0  }
0xa0: {  	[sflag:s22] =	ssyncadd.s32 s4;
	_ =	sdelay $0x1  }
0xa1: {  	s23 =	simm.s32 $0x1B8B  }
0xa2: {  	_ =	swait.ge [sflag:s23], $0x1  }
0xa3: {  	[sflag:s23] =	ssyncset.done $0x0  }
0xa4: {  	s25 =	simm.s32 $0x1B8E;
	s24 =	sld [smem:$0x3FFE];
	[sflag:s23] =	ssyncadd.s32 $0xFFFFFFFF  }
0xa5: {  	s26 =	simm.s32 $execute0_lowered;
	[smem:$0x3FD2] =	sst s25  }
0xa6: {  	s5 =	sshll.u32 s26, $0x1;
	_ =	strace $0x80000046;
	[dreg:$0x1] =	wrdreg $0xFFFFFFFF  }
0xa7: {  	s28 =	simm.s32 $_size_execute0_lowered;
	s3 =	sadd.s32 s3, s5;
	[dreg:$0x0] =	wrdreg $0x0  }
0xa8: {  	s5 =	sshll.u32 s28, $0x1;
	[dreg:$0x2] =	wrdreg s3  }
0xa9: {  	[dreg:$0x3] =	wrdreg s5  }
0xaa: {  	[dreg:$0x4] =	wrdreg $0xC0  }
0xab: {  	_ =	task [dreg:s7], $0x5FFFF  }
0xac: {  	[dreg:$0x1] =	wrdreg $0xFFFFFFFF  }
0xad: {  	[dreg:$0x0] =	wrdreg $0x60  }
0xae: {  	[dreg:$0x2] =	wrdreg s2  }
0xaf: {  	[dreg:$0x3] =	wrdreg s24  }
0xb0: {  	[dreg:$0x4] =	wrdreg $0x9  }
0xb1: {  	_ =	task.clear_ibuf [dreg:s7], $0x5FFFF;
	_ =	strace $0x90000046  }
0xb2: {  	s29 =	simm.s32 $0x9;
	_ =	strace $0x80000048  }
0xb3: {  	_ =	swait.ge [sflag:s29], $0x1  }
0xb4: {  	[sflag:s29] =	ssyncadd.s32 $0xFFFFFFFF  }
0xb5: {  	_ =	strace $0x90000048  }
0xb6: {  	_ =	sfence  }
0xb7: {  	s30 =	sld [smem:$0x0];
	_ =	sdelay $0x2  }
0xb8: {  	s31 =	sshll.u32 s1, $0xD;
	s1 =	sshrl.u32 s1, $0x2  }
0xb9: {  	s3 =	sand.u32 $0x4000, s31;
	s1 =	sadd.s32 s1, s30  }
0xba: {  	s0 =	sor.u32 s3, s0;
	s1 =	sshll.u32 s1, $0x11  }
0xbb: {  	s0 =	sor.u32 s1, s0  }
0xbc: {  	s0 =	sadd.s32 $0x8F2B, s0  }
0xbd: {  	[sflag:s0] =	ssyncadd.remote.s32 $0x1  }
0xbe: {  	_ =	sfence.sel $0xFFFF  }
0xbf: {  	[dreg:$0x0] =	wrdreg $0xFFFFFFFF;
	(pc) =	sbr.abs _section_cstart, $3  }
0xc0: {  	[dreg:$0x1] =	wrdreg $0xFFFFFFFF  }
0xc1: {  	_ =	task.clear_ibuf [dreg:s7], $0x2FFFF;
	_ =	strace $0x9FFFFFFF  }
0xc2: {  	(tm) =	ssettm $0x7FFFFFFF  }
0xc3: {  	_ =	shalt  }
tec
execute0_lowered:
.L_overlay_start_1:
0x0: {  	(tag) =	ssettag $0x1  }
0x1: {  	s3 =	rddreg [dreg:$0x0];
	s1 =	srdreg.scid  }
0x2: {  	s0 =	stileid.u32;
	s6 =	rddreg [dreg:$0x1];
	s8 =	simm.s32 $0x1  }
0x3: {  	s9 =	simm.s32 $0x300;
	s10 =	simm.s32 $0x0;
	s4 =	sand.u32 $0x1, s1  }
0x4: {  	s29 =	sshrl.u32 s0, $0x2;
	s2 =	sshll.u32 s0, $0x8;
	s1 =	rddreg [dreg:$0x2]  }
0x5: {  	s5 =	smul.u32 $0x1800, s29;
	s30 =	sshll.u32 s4, $0x7;
	s2 =	sand.u32 $0x300, s2  }
0x6: {  	s4 =	ssub.s32 $0x2, s4;
	s7 =	sor.u32 s30, s2;
	s2 =	simm.s32 $0x0  }
0x7: {  	s31 =	sshrl.u32 s4, $0x1;
	s5 =	sor.u32 s5, s7;
	[smem:$0x7FF] =	sst s2  }
0x8: {  	s7 =	ssub.s32 s4, s31;
	s5 =	sshrl.u32 s5, $0x3;
	_ =	strace $0x80000047  }
0x9: {  	v0 =	vlaneseq.u32;
	s6 =	sadd.s32 s5, s6;
	s3 =	sadd.s32 s3, s5;
	s5 =	smax.u32 s7, $0x1  }
0xa: {  	v1 =	vimm.s32 $0x0;
	v3 =	vimm.f32 $0.0e+00;
	v2 =	vmul.u32 $0xFFFFFFFF, v0;
	s7 =	simm.s32 $0x400;
	s4 =	sadd.s32 $0x400, s6;
	s6 =	simm.s32 $0x80  }
.LBB2_1:
0xb: {  	[tilespmem:s2], [sflag:$0x1] =	stream.strided.gather [hbm4b:s3+s6], $0x300, s7, s6, $0x38;
	[tilespmem:$0x680] =	vst v63  }
0xc: {  	_ =	swait.ge [sflag:s8], $0x300  }
0xd: {  	[sflag:s8] =	ssyncset.done $0x0  }
0xe: {  	v5 =	vimm.s32 $0x7F800000;
	v4 =	vimm.s32 $0x0;
	s11 =	simm.s32 $0x0;
	[sflag:s8] =	ssyncadd.s32 $0xFFFFFD00  }
.LBB2_2:
0xf: {  	v6 =	vsub.s32 v5, v4  }
0x10: {  	s13 =	simm.s32 $0x0;
	v6 =	vadd.s32 $0x1, v6  }
0x11: {  	v8 =	vld [tilespmem:s13+$0x0];
	v6 =	vshra.s32 v6, $0x1  }
0x12: {  	v7 =	vimm.s32 $0x0;
	s12 =	simm.s32 $0x40;
	v6 =	vadd.s32 v4, v6  }
.LBB2_3:
0x13: {  	p0 =	sne.s32 s12, $0xBC0  }
.Ltmp0:
0x14: {  	_ = 	snop;
	(pc) =	sbr.rel @p0 .LBB2_3-.Ltmp0, $4  }
0x15: {  	_ = 	snop  }
0x16: {  	s13 =	sshra.s32 s12, $0x2;
	s12 =	sadd.s32 $0x40, s12;
	vm0 =	vge.s32 v8, v6  }
0x17: {  	v8 =	vld [tilespmem:s13+$0x0];
	v9 =	vsel vm0, $0x1, v1  }
0x18: {  	v7 =	vadd.s32 v9, v7  }
0x19: {  	_ =	sdelay $0x2  }
0x1a: {  	vm0 =	vge.s32 v8, v6  }
0x1b: {  	v8 =	vsel vm0, $0x1, v1  }
0x1c: {  	v7 =	vadd.s32 v8, v7  }
0x1d: {  	[tilespmem:$0x600] =	vst v7  }
0x1e: {  	[tilespmem:$0x610] =	vst v7  }
0x1f: {  	v60 =	vld [tilespmem:$0x608];
	_ =	sdelay $0x4  }
0x20: {  	v7 =	vadd.s32 v7, v60  }
0x21: {  	[tilespmem:$0x600] =	vst v7  }
0x22: {  	[tilespmem:$0x610] =	vst v7  }
0x23: {  	v61 =	vld [tilespmem:$0x604];
	_ =	sdelay $0x4  }
0x24: {  	v7 =	vadd.s32 v7, v61  }
0x25: {  	[tilespmem:$0x600] =	vst v7  }
0x26: {  	[tilespmem:$0x610] =	vst v7  }
0x27: {  	v62 =	vld [tilespmem:$0x602];
	_ =	sdelay $0x4  }
0x28: {  	v7 =	vadd.s32 v7, v62  }
0x29: {  	[tilespmem:$0x600] =	vst v7  }
0x2a: {  	[tilespmem:$0x610] =	vst v7  }
0x2b: {  	v63 =	vld [tilespmem:$0x601]  }
0x2c: {  	s11 =	sadd.s32 $0x1, s11  }
0x2d: {  	p0 =	sne.s32 s11, $0x1F  }
.Ltmp1:
0x2e: {  	_ = 	snop;
	(pc) =	sbr.rel @p0 .LBB2_2-.Ltmp1, $4  }
0x2f: {  	_ = 	snop  }
0x30: {  	v7 =	vadd.s32 v7, v63  }
0x31: {  	vm15 =	vgt.s32 v7, $0x17F;
	v7 =	vadd.s32 $0xFFFFFFFF, v6  }
0x32: {  	v4 =	vsel vm15, v6, v4;
	v5 =	vsel vm15, v5, v7  }
0x33: {  	s12 =	simm.s32 $0x0  }
0x34: {  	v7 =	vld [tilespmem:s12+$0x0]  }
0x35: {  	v6 =	vadd.s32 $0x1, v4;
	v5 =	vimm.s32 $0x0;
	s11 =	simm.s32 $0x40  }
.LBB2_6:
0x36: {  	p0 =	sne.s32 s11, $0xBC0  }
.Ltmp2:
0x37: {  	_ = 	snop;
	(pc) =	sbr.rel @p0 .LBB2_6-.Ltmp2, $4  }
0x38: {  	_ = 	snop  }
0x39: {  	s12 =	sshra.s32 s11, $0x2;
	s11 =	sadd.s32 $0x40, s11;
	vm0 =	vge.s32 v7, v6  }
0x3a: {  	v7 =	vld [tilespmem:s12+$0x0];
	v8 =	vsel vm0, $0x1, v1  }
0x3b: {  	v5 =	vadd.s32 v8, v5  }
0x3c: {  	_ =	sdelay $0x2  }
0x3d: {  	vm0 =	vge.s32 v7, v6  }
0x3e: {  	v6 =	vsel vm0, $0x1, v1  }
0x3f: {  	v5 =	vadd.s32 v6, v5  }
0x40: {  	[tilespmem:$0x600] =	vst v5  }
0x41: {  	[tilespmem:$0x610] =	vst v5  }
0x42: {  	v6 =	vld [tilespmem:$0x608];
	_ =	sdelay $0x4  }
0x43: {  	v5 =	vadd.s32 v5, v6  }
0x44: {  	[tilespmem:$0x600] =	vst v5  }
0x45: {  	[tilespmem:$0x610] =	vst v5  }
0x46: {  	v6 =	vld [tilespmem:$0x604];
	_ =	sdelay $0x4  }
0x47: {  	v5 =	vadd.s32 v5, v6  }
0x48: {  	[tilespmem:$0x600] =	vst v5  }
0x49: {  	[tilespmem:$0x610] =	vst v5  }
0x4a: {  	v6 =	vld [tilespmem:$0x602];
	_ =	sdelay $0x4  }
0x4b: {  	v5 =	vadd.s32 v5, v6  }
0x4c: {  	[tilespmem:$0x600] =	vst v5  }
0x4d: {  	[tilespmem:$0x610] =	vst v5  }
0x4e: {  	v6 =	vld [tilespmem:$0x601];
	_ =	sdelay $0x4  }
0x4f: {  	v5 =	vadd.s32 v6, v5  }
0x50: {  	s11 =	simm.s32 $0x0;
	s12 =	simm.s32 $0x0;
	v7 =	vimm.s32 $0x2FF;
	v6 =	vsub.s32 $0x180, v5;
	v5 =	vimm.s32 $0x0  }
.LBB2_8:
0x51: {  	v10 =	vld [tilespmem:s11+$0x0];
	_ =	sdelay $0x1  }
0x52: {  	v8 =	vadd.s32 v5, v7  }
0x53: {  	v8 =	vshra.s32 v8, $0x1  }
0x54: {  	v11 =	vmov s11;
	v9 =	vadd.s32 v2, v8  }
0x55: {  	s13 =	simm.s32 $0x10;
	s14 =	simm.s32 $0x10;
	vm1 =	vle.s32 v11, v9;
	vm0 =	veq.s32 v10, v4;
	v10 =	vimm.s32 $0x0  }
.LBB2_9:
0x56: {  	v11 =	vld [tilespmem:s14+$0x0];
	p0 =	sne.s32 s13, $0x2F0;
	vm0 =	vmand vm1, vm0;
	s15 =	smov.u32 s13;
	s13 =	sadd.s32 $0x10, s13  }
.Ltmp3:
0x57: {  	v12 =	vsel vm0, $0x1, v1;
	(pc) =	sbr.rel @p0 .LBB2_9-.Ltmp3, $3  }
0x58: {  	v10 =	vadd.s32 v12, v10;
	_ =	sdelay $0x1  }
0x59: {  	v12 =	vmov s15  }
0x5a: {  	s14 =	sadd.s32 $0x10, s14;
	vm1 =	vle.s32 v12, v9;
	vm0 =	veq.s32 v11, v4  }
0x5b: {  	vm0 =	vmand vm1, vm0  }
0x5c: {  	v9 =	vsel vm0, $0x1, v1  }
0x5d: {  	v9 =	vadd.s32 v9, v10  }
0x5e: {  	[tilespmem:$0x600] =	vst v9  }
0x5f: {  	[tilespmem:$0x610] =	vst v9  }
0x60: {  	v59 =	vld [tilespmem:$0x608];
	_ =	sdelay $0x4  }
0x61: {  	v9 =	vadd.s32 v9, v59  }
0x62: {  	[tilespmem:$0x600] =	vst v9  }
0x63: {  	[tilespmem:$0x610] =	vst v9  }
0x64: {  	v60 =	vld [tilespmem:$0x604];
	_ =	sdelay $0x4  }
0x65: {  	v9 =	vadd.s32 v9, v60  }
0x66: {  	[tilespmem:$0x600] =	vst v9  }
0x67: {  	[tilespmem:$0x610] =	vst v9  }
0x68: {  	v61 =	vld [tilespmem:$0x602];
	_ =	sdelay $0x4  }
0x69: {  	v9 =	vadd.s32 v9, v61  }
0x6a: {  	[tilespmem:$0x600] =	vst v9  }
0x6b: {  	[tilespmem:$0x610] =	vst v9  }
0x6c: {  	v62 =	vld [tilespmem:$0x601]  }
0x6d: {  	s12 =	sadd.s32 $0x1, s12  }
0x6e: {  	p0 =	sne.s32 s12, $0xA  }
.Ltmp4:
0x6f: {  	_ = 	snop;
	(pc) =	sbr.rel @p0 .LBB2_8-.Ltmp4, $4  }
0x70: {  	_ = 	snop  }
0x71: {  	v9 =	vadd.s32 v9, v62  }
0x72: {  	v63 =	vadd.s32 $0x1, v8;
	vm15 =	vlt.s32 v9, v6  }
0x73: {  	v5 =	vsel vm15, v63, v5;
	v7 =	vsel vm15, v7, v8  }
0x74: {  	s11 =	simm.s32 $0x0  }
0x75: {  	v6 =	vld [tilespmem:s11+$0x0];
	_ =	sdelay $0x3  }
0x76: {  	v7 =	vor.u32 s11, v0  }
0x77: {  	vm1 =	vle.s32 v7, v5;
	vm0 =	veq.s32 v6, v4  }
0x78: {  	vm2 =	vgt.s32 v6, v4;
	vm0 =	vmand vm1, vm0  }
0x79: {  	vm0 =	vmor vm2, vm0  }
0x7a: {  	s11 =	simm.s32 $0x300;
	v6 =	vsel vm0, $0x3F800000, v3  }
0x7b: {  	s12 =	simm.s32 $0x10;
	[tilespmem:s11+$0x0] =	vst v6  }
0x7c: {  	s13 =	simm.s32 $0x20;
	s14 =	simm.s32 $0x10;
	v6 =	vld [tilespmem:s12+$0x0]  }
.LBB2_12:
0x7d: {  	p0 =	sne.s32 s13, $0x2F0;
	_ =	sdelay $0x2  }
0x7e: {  	v7 =	vor.u32 s12, v0;
	s12 =	smov.u32 s13  }
0x7f: {  	vm1 =	vle.s32 v7, v5;
	vm0 =	veq.s32 v6, v4  }
.Ltmp5:
0x80: {  	vm2 =	vgt.s32 v6, v4;
	vm0 =	vmand vm1, vm0;
	(pc) =	sbr.rel @p0 .LBB2_12-.Ltmp5, $4  }
0x81: {  	vm0 =	vmor vm2, vm0  }
0x82: {  	s11 =	sadd.s32 $0x10, s11;
	v6 =	vsel vm0, $0x3F800000, v3  }
0x83: {  	s14 =	sadd.s32 $0x10, s14;
	[tilespmem:s11+$0x0] =	vst v6  }
0x84: {  	s13 =	sadd.s32 $0x10, s13;
	v6 =	vld [tilespmem:s14+$0x0]  }
0x85: {  	_ =	sdelay $0x2  }
0x86: {  	v7 =	vor.u32 s12, v0  }
0x87: {  	vm1 =	vle.s32 v7, v5;
	vm0 =	veq.s32 v6, v4  }
0x88: {  	vm2 =	vgt.s32 v6, v4;
	vm0 =	vmand vm1, vm0  }
0x89: {  	s10 =	sadd.s32 $0x1, s10;
	vm0 =	vmor vm2, vm0  }
0x8a: {  	s11 =	sadd.s32 $0x10, s11;
	p0 =	sne.s32 s10, s5;
	v4 =	vsel vm0, $0x3F800000, v3  }
.Ltmp6:
0x8b: {  	[tilespmem:s11+$0x0] =	vst v4;
	(pc) =	sbr.rel @p0 .LBB2_1-.Ltmp6, $4  }
0x8c: {  	[hbm4b:s4+s6] =	stream.strided.scatter [tilespmem:s9], [sflag:$0x1], $0x300, s7, s6, $0x38;
	[tilespmem:$0x680] =	vst v63  }
0x8d: {  	_ =	swait.ge [sflag:s8], $0x300  }
0x8e: {  	[sflag:s8] =	ssyncset.done $0x0  }
0x8f: {  	[sflag:s8] =	ssyncadd.s32 $0xFFFFFD00  }
0x90: {  	_ =	sfence.sel $0x180000  }
0x91: {  	[bflag:$0x0] =	sbarrier.arrive $0xFFFF  }
0x92: {  	p0 =	sne.s32 s0, $0x0;
	_ =	strace $0x90000047  }
0x93: {  	s0 =	sadd.s32 @!p0 $0x100000, s1;
	[bflag:$0x2] =	sbarrier.arrive $0xFFFF  }
0x94: {  	[sflag:s0] =	ssyncadd.tile.s32 @!p0 $0x1;
	_ =	shalt  }
.Lfunc_end2:
_tile_overlayer_lowered:
.L_overlay_start_2:
0x95: {  	(tag) =	ssettag $0x2  }
0x96: {  	s0 =	rddreg [dreg:$0x0];
	s2 =	stileid.u32  }
0x97: {  	s1 =	rddreg [dreg:$0x1];
	p0 =	sne.s32 s2, $0x0  }
0x98: {  	s3 =	rddreg [dreg:$0x2];
	[bflag:$0x3] =	sbarrier.arrive $0xFFFF;
	s2 =	simm.s32 @!p0 $0x1C01  }
0x99: {  	[timem:s3], [sflag:s2] =	dma.local @!p0 [hbm:s0], s1  }
0x9a: {  	s0 =	simm.s32 @!p0 $0x1  }
0x9b: {  	_ =	swait.ge @!p0 [sflag:s0], s1  }
0x9c: {  	s1 =	ssub.s32 @!p0 $0x0, s1;
	[sflag:s0] =	ssyncset.done @!p0 $0x0  }
0x9d: {  	[sflag:s0] =	ssyncadd.s32 @!p0 s1  }
0x9e: {  	[bflag:$0x3] =	sbarrier.arrive $0xFFFF  }
0x9f: {  	_ =	shalt  }

</sc_bundles>
